<compile_context>
chip_gen: v7x
topology: tpu7x:2x2x1
jax: 0.10.2.dev20260603
libtpu: 0.0.44.dev20260713+nightly
codegen_flags: <defaults>
</compile_context>

<pallas_src>
import functools
import jax
import jax.numpy as jnp
from jax import lax
from jax.experimental import pallas as pl
from jax.experimental.pallas import tpu as pltpu
from jax.experimental.pallas import tpu_sc as plsc

ROWS = 16
NBUF = 3
L = 16


def _sc_add(B, S, D):
    NW = 32
    rows_per_w = (B * S) // NW
    n_chunks = rows_per_w // ROWS
    mesh = plsc.VectorSubcoreMesh(core_axis_name="c", subcore_axis_name="s")

    @functools.partial(
        pl.kernel,
        out_type=jax.ShapeDtypeStruct((B, S, D), jnp.float32),
        mesh=mesh,
        scratch_types=[
            pltpu.VMEM((NBUF, ROWS, D), jnp.float32),
            pltpu.VMEM((NBUF, ROWS, D), jnp.float32),
            pltpu.SemaphoreType.DMA((NBUF,)),
            pltpu.SemaphoreType.DMA((NBUF,)),
            pltpu.SemaphoreType.DMA((NBUF,)),
        ],
    )
    def k(x_hbm, pos_hbm, out_hbm, xbuf, posbuf, xsem, psem, osem):
        wid = lax.axis_index("s") * 2 + lax.axis_index("c")
        row0 = wid * rows_per_w
        b = row0 // S
        s_base = row0 % S

        def start_loads(c):
            slot = c % NBUF
            s0 = s_base + c * ROWS
            pltpu.async_copy(
                x_hbm.at[b, pl.ds(s0, ROWS), :], xbuf.at[slot], xsem.at[slot])
            pltpu.async_copy(
                pos_hbm.at[pl.ds(s0, ROWS), :], posbuf.at[slot], psem.at[slot])

        def wait_out(c):
            slot = c % NBUF
            s0 = s_base + c * ROWS
            pltpu.make_async_copy(
                xbuf.at[slot], out_hbm.at[b, pl.ds(s0, ROWS), :],
                osem.at[slot]).wait()

        start_loads(0)

        def chunk(c, _):
            slot = c % NBUF
            s0 = s_base + c * ROWS

            @pl.when(c + 1 < n_chunks)
            def _prefetch():
                @pl.when(c >= NBUF - 1)
                def _drain():
                    wait_out(c - (NBUF - 1))
                start_loads(c + 1)

            pltpu.make_async_copy(
                x_hbm.at[b, pl.ds(s0, ROWS), :], xbuf.at[slot],
                xsem.at[slot]).wait()
            pltpu.make_async_copy(
                pos_hbm.at[pl.ds(s0, ROWS), :], posbuf.at[slot],
                psem.at[slot]).wait()

            @plsc.parallel_loop(0, (ROWS * D) // L, 1, unroll=8)
            def _add(j):
                r = j >> 6
                sl = pl.ds((j & 63) * L, L)
                xbuf[slot, r, sl] = xbuf[slot, r, sl] + posbuf[slot, r, sl]

            pltpu.async_copy(
                xbuf.at[slot], out_hbm.at[b, pl.ds(s0, ROWS), :],
                osem.at[slot])
            return 0

        lax.fori_loop(0, n_chunks, chunk, 0)

        for c in range(n_chunks - NBUF, n_chunks):
            wait_out(c)

    return k


def kernel(x, pos_embedding):
    B, S, D = x.shape
    pos = pos_embedding[:S]
    return _sc_add(B, S, D)(x, pos)

# --- scband reference (transcript-rebuilt; emitter-appended) ---
"""Pipeline reference for scband-learned-positional-encoding-67645734912299 (READ-ONLY COPY).

The authoritative reference and input builder live on the scoring server;
editing this copy changes nothing except your own understanding.
"""

import jax, jax.numpy as jnp
import numpy as np

D_MODEL = 1024
MAX_LEN = 8192

def setup_inputs(seed: int = 0) -> dict:
    key = jax.random.key(seed)
    k1, k2 = jax.random.split(key)
    x = jax.random.normal(k1, (4, 8192, D_MODEL), dtype=jnp.float32)
    # nn.Embedding default init: N(0, 1)
    pos_embedding = jax.random.normal(k2, (MAX_LEN, D_MODEL), dtype=jnp.float32)
    return {"x": x, "pos_embedding": pos_embedding}

def reference(x, pos_embedding):
    seq_len = x.shape[1]
    positions = jnp.arange(seq_len)
    pos_emb = jnp.take(pos_embedding, positions, axis=0)  # [S, D]
    return x + pos_emb[None, :, :]

if __name__ == "__main__":
    import jax
    _d = setup_inputs()
    print(jax.jit(kernel)(*tuple(_d.values())))

</pallas_src>

<mosaic_0001>
#map = affine_map<(d0, d1) -> (0, 0, 0)>
#map1 = affine_map<(d0, d1) -> (0, 0)>
module attributes {stable_mosaic.version = 14 : i64} {
  func.func @k(%arg0: i32, %arg1: i32, %arg2: memref<4x8192x1024xf32, #tpu.memory_space<hbm>>, %arg3: memref<8192x1024xf32, #tpu.memory_space<hbm>>, %arg4: memref<4x8192x1024xf32, #tpu.memory_space<hbm>>, %arg5: memref<3x16x1024xf32, #tpu.memory_space<vmem>>, %arg6: memref<3x16x1024xf32, #tpu.memory_space<vmem>>, %arg7: memref<3x!tpu.dma_semaphore, #tpu.memory_space<semaphore_mem>>, %arg8: memref<3x!tpu.dma_semaphore, #tpu.memory_space<semaphore_mem>>, %arg9: memref<3x!tpu.dma_semaphore, #tpu.memory_space<semaphore_mem>>) attributes {dimension_semantics = [#tpu.dimension_semantics<core_parallel>, #tpu.dimension_semantics<subcore_parallel>], iteration_bounds = array<i64: 2, 16>, scalar_prefetch = 0 : i64, scratch_operands = 5 : i64, tpu.core_type = #tpu.core_type<sc_vector_subcore>, window_params = [{transform_indices = #map}, {transform_indices = #map1}, {transform_indices = #map}]} {
    %mul3A = arith.constant 2 : i32
    %mul3A_0 = arith.muli %arg1, %mul3A : i32
    %add3A = arith.addi %mul3A_0, %arg0 : i32
    %mul3A_1 = arith.constant 1024 : i32
    %mul3A_2 = arith.muli %add3A, %mul3A_1 : i32
    %jit3A = arith.constant 8192 : i32
    %div3A = arith.divsi %mul3A_2, %jit3A : i32
    %sign3A = arith.constant 0 : i32
    %sign3A_3 = arith.cmpi sgt, %mul3A_2, %sign3A : i32
    %sign3A_4 = arith.extui %sign3A_3 : i1 to i32
    %sign3A_5 = arith.constant 0 : i32
    %sign3A_6 = arith.cmpi slt, %mul3A_2, %sign3A_5 : i32
    %sign3A_7 = arith.extui %sign3A_6 : i1 to i32
    %sign3A_8 = arith.subi %sign3A_4, %sign3A_7 : i32
    %sign3A_9 = arith.constant 0 : i32
    %sign3A_10 = arith.cmpi sgt, %jit3A, %sign3A_9 : i32
    %sign3A_11 = arith.extui %sign3A_10 : i1 to i32
    %sign3A_12 = arith.constant 0 : i32
    %sign3A_13 = arith.cmpi slt, %jit3A, %sign3A_12 : i32
    %sign3A_14 = arith.extui %sign3A_13 : i1 to i32
    %sign3A_15 = arith.subi %sign3A_11, %sign3A_14 : i32
    %ne3A = arith.cmpi ne, %sign3A_8, %sign3A_15 : i32
    %rem3A = arith.remsi %mul3A_2, %jit3A : i32
    %ne3A_16 = arith.constant 0 : i32
    %ne3A_17 = arith.cmpi ne, %rem3A, %ne3A_16 : i32
    %and3A = arith.andi %ne3A, %ne3A_17 : i1
    %sub3A = arith.constant 1 : i32
    %sub3A_18 = arith.subi %div3A, %sub3A : i32
    %select_n3A = arith.select %and3A, %sub3A_18, %div3A : i32
    %jit3A_19 = arith.constant 8192 : i32
    %eq3A = arith.constant 0 : i32
    %eq3A_20 = arith.cmpi eq, %jit3A_19, %eq3A : i32
    %jit3A_21 = arith.constant 1 : i32
    %select_n3A_22 = arith.select %eq3A_20, %jit3A_21, %jit3A_19 : i32
    %rem3A_23 = arith.remsi %mul3A_2, %select_n3A_22 : i32
    %ne3A_24 = arith.constant 0 : i32
    %ne3A_25 = arith.cmpi ne, %rem3A_23, %ne3A_24 : i32
    %lt3A = arith.constant 0 : i32
    %lt3A_26 = arith.cmpi slt, %rem3A_23, %lt3A : i32
    %lt3A_27 = arith.constant 0 : i32
    %lt3A_28 = arith.cmpi slt, %select_n3A_22, %lt3A_27 : i32
    %ne3A_29 = arith.xori %lt3A_26, %lt3A_28 : i1
    %and3A_30 = arith.andi %ne3A_29, %ne3A_25 : i1
    %add3A_31 = arith.addi %rem3A_23, %select_n3A_22 : i32
    %select_n3A_32 = arith.select %and3A_30, %add3A_31, %rem3A_23 : i32
    %add3A_33 = arith.constant 0 : i32
    %add3A_34 = arith.addi %select_n3A_32, %add3A_33 : i32
    %dma_start3A = arith.constant 0 : i32
    %dma_start3A_35 = arith.constant 0 : i32
    %dma_start3A_36 = arith.constant 0 : i32
    %dma_start3A_37 = arith.constant 0 : i32
    %dma_start3A_38 = tpu.memref_slice %arg5[%dma_start3A, %dma_start3A_36, %dma_start3A_37] : memref<3x16x1024xf32, #tpu.memory_space<vmem>> -> memref<1x16x1024xf32, #tpu.memory_space<vmem>>
    %dma_start3A_39 = tpu.memref_squeeze %dma_start3A_38 : memref<1x16x1024xf32, #tpu.memory_space<vmem>> -> memref<16x1024xf32, #tpu.memory_space<vmem>>
    %dma_start3A_40 = arith.constant 0 : i32
    %dma_start3A_41 = tpu.memref_slice %arg2[%select_n3A, %add3A_34, %dma_start3A_40] : memref<4x8192x1024xf32, #tpu.memory_space<hbm>> -> memref<1x16x1024xf32, #tpu.memory_space<hbm>>
    %dma_start3A_42 = tpu.memref_squeeze %dma_start3A_41 : memref<1x16x1024xf32, #tpu.memory_space<hbm>> -> memref<16x1024xf32, #tpu.memory_space<hbm>>
    %dma_start3A_43 = tpu.memref_slice %arg7[%dma_start3A_35] : memref<3x!tpu.dma_semaphore, #tpu.memory_space<semaphore_mem>> -> memref<1x!tpu.dma_semaphore, #tpu.memory_space<semaphore_mem>>
    %dma_start3A_44 = tpu.memref_squeeze %dma_start3A_43 : memref<1x!tpu.dma_semaphore, #tpu.memory_space<semaphore_mem>> -> memref<!tpu.dma_semaphore, #tpu.memory_space<semaphore_mem>>
    %dma_start3A_45 = arith.constant 0 : i32
    %dma_start3A_46 = arith.constant 0 : i32
    %dma_start3A_47 = tpu.memref_slice %arg5[%dma_start3A, %dma_start3A_45, %dma_start3A_46] : memref<3x16x1024xf32, #tpu.memory_space<vmem>> -> memref<1x16x1024xf32, #tpu.memory_space<vmem>>
    %dma_start3A_48 = tpu.memref_squeeze %dma_start3A_47 : memref<1x16x1024xf32, #tpu.memory_space<vmem>> -> memref<16x1024xf32, #tpu.memory_space<vmem>>
    %dma_start3A_49 = arith.constant 0 : i32
    %dma_start3A_50 = tpu.memref_slice %arg2[%select_n3A, %add3A_34, %dma_start3A_49] : memref<4x8192x1024xf32, #tpu.memory_space<hbm>> -> memref<1x16x1024xf32, #tpu.memory_space<hbm>>
    %dma_start3A_51 = tpu.memref_squeeze %dma_start3A_50 : memref<1x16x1024xf32, #tpu.memory_space<hbm>> -> memref<16x1024xf32, #tpu.memory_space<hbm>>
    tpu.enqueue_dma source(%dma_start3A_51 : memref<16x1024xf32, #tpu.memory_space<hbm>>) target(%dma_start3A_48 : memref<16x1024xf32, #tpu.memory_space<vmem>>) target_semaphore(%dma_start3A_44 : memref<!tpu.dma_semaphore, #tpu.memory_space<semaphore_mem>>)
    %dma_start3A_52 = arith.constant 0 : i32
    %dma_start3A_53 = arith.constant 0 : i32
    %dma_start3A_54 = arith.constant 0 : i32
    %dma_start3A_55 = arith.constant 0 : i32
    %dma_start3A_56 = tpu.memref_slice %arg6[%dma_start3A_52, %dma_start3A_54, %dma_start3A_55] : memref<3x16x1024xf32, #tpu.memory_space<vmem>> -> memref<1x16x1024xf32, #tpu.memory_space<vmem>>
    %dma_start3A_57 = tpu.memref_squeeze %dma_start3A_56 : memref<1x16x1024xf32, #tpu.memory_space<vmem>> -> memref<16x1024xf32, #tpu.memory_space<vmem>>
    %dma_start3A_58 = arith.constant 0 : i32
    %dma_start3A_59 = tpu.memref_slice %arg3[%add3A_34, %dma_start3A_58] : memref<8192x1024xf32, #tpu.memory_space<hbm>> -> memref<16x1024xf32, #tpu.memory_space<hbm>>
    %dma_start3A_60 = tpu.memref_slice %arg8[%dma_start3A_53] : memref<3x!tpu.dma_semaphore, #tpu.memory_space<semaphore_mem>> -> memref<1x!tpu.dma_semaphore, #tpu.memory_space<semaphore_mem>>
    %dma_start3A_61 = tpu.memref_squeeze %dma_start3A_60 : memref<1x!tpu.dma_semaphore, #tpu.memory_space<semaphore_mem>> -> memref<!tpu.dma_semaphore, #tpu.memory_space<semaphore_mem>>
    %dma_start3A_62 = arith.constant 0 : i32
    %dma_start3A_63 = arith.constant 0 : i32
    %dma_start3A_64 = tpu.memref_slice %arg6[%dma_start3A_52, %dma_start3A_62, %dma_start3A_63] : memref<3x16x1024xf32, #tpu.memory_space<vmem>> -> memref<1x16x1024xf32, #tpu.memory_space<vmem>>
    %dma_start3A_65 = tpu.memref_squeeze %dma_start3A_64 : memref<1x16x1024xf32, #tpu.memory_space<vmem>> -> memref<16x1024xf32, #tpu.memory_space<vmem>>
    %dma_start3A_66 = arith.constant 0 : i32
    %dma_start3A_67 = tpu.memref_slice %arg3[%add3A_34, %dma_start3A_66] : memref<8192x1024xf32, #tpu.memory_space<hbm>> -> memref<16x1024xf32, #tpu.memory_space<hbm>>
    tpu.enqueue_dma source(%dma_start3A_67 : memref<16x1024xf32, #tpu.memory_space<hbm>>) target(%dma_start3A_65 : memref<16x1024xf32, #tpu.memory_space<vmem>>) target_semaphore(%dma_start3A_61 : memref<!tpu.dma_semaphore, #tpu.memory_space<semaphore_mem>>)
    %scan3A = arith.constant 0 : i32
    %scan3A_68 = arith.constant 0 : i32
    %scan3A_69 = arith.constant 64 : i32
    %scan3A_70 = arith.addi %scan3A_68, %scan3A_69 : i32
    %scan3A_71 = arith.constant 1 : i32
    %scan3A_72 = scf.for %scan3A_133 = %scan3A_68 to %scan3A_70 step %scan3A_71 iter_args(%scan3A_134 = %scan3A) -> (i32)  : i32 {
      %jit3A_135 = arith.constant 3 : i32
      %eq3A_136 = arith.constant 0 : i32
      %eq3A_137 = arith.cmpi eq, %jit3A_135, %eq3A_136 : i32
      %jit3A_138 = arith.constant 1 : i32
      %select_n3A_139 = arith.select %eq3A_137, %jit3A_138, %jit3A_135 : i32
      %rem3A_140 = arith.remsi %scan3A_133, %select_n3A_139 : i32
      %ne3A_141 = arith.constant 0 : i32
      %ne3A_142 = arith.cmpi ne, %rem3A_140, %ne3A_141 : i32
      %lt3A_143 = arith.constant 0 : i32
      %lt3A_144 = arith.cmpi slt, %rem3A_140, %lt3A_143 : i32
      %lt3A_145 = arith.constant 0 : i32
      %lt3A_146 = arith.cmpi slt, %select_n3A_139, %lt3A_145 : i32
      %ne3A_147 = arith.xori %lt3A_144, %lt3A_146 : i1
      %and3A_148 = arith.andi %ne3A_147, %ne3A_142 : i1
      %add3A_149 = arith.addi %rem3A_140, %select_n3A_139 : i32
      %select_n3A_150 = arith.select %and3A_148, %add3A_149, %rem3A_140 : i32
      %mul3A_151 = arith.constant 16 : i32
      %mul3A_152 = arith.muli %scan3A_133, %mul3A_151 : i32
      %add3A_153 = arith.addi %select_n3A_32, %mul3A_152 : i32
      %add3A_154 = arith.constant 1 : i32
      %add3A_155 = arith.addi %scan3A_133, %add3A_154 : i32
      %lt3A_156 = arith.constant 64 : i32
      %lt3A_157 = arith.cmpi slt, %add3A_155, %lt3A_156 : i32
      %convert_element_type3A = arith.extui %lt3A_157 : i1 to i32
      %cond3A = arith.constant 0 : i32
      %cond3A_158 = arith.cmpi ne, %convert_element_type3A, %cond3A : i32
      scf.if %cond3A_158 {
        %ge3A = arith.constant 2 : i32
        %ge3A_208 = arith.cmpi sge, %scan3A_133, %ge3A : i32
        %convert_element_type3A_209 = arith.extui %ge3A_208 : i1 to i32
        %cond3A_210 = arith.constant 0 : i32
        %cond3A_211 = arith.cmpi ne, %convert_element_type3A_209, %cond3A_210 : i32
        scf.if %cond3A_211 {
          %sub3A_263 = arith.constant 2 : i32
          %sub3A_264 = arith.subi %scan3A_133, %sub3A_263 : i32
          %jit3A_265 = arith.constant 3 : i32
          %eq3A_266 = arith.constant 0 : i32
          %eq3A_267 = arith.cmpi eq, %jit3A_265, %eq3A_266 : i32
          %jit3A_268 = arith.constant 1 : i32
          %select_n3A_269 = arith.select %eq3A_267, %jit3A_268, %jit3A_265 : i32
          %rem3A_270 = arith.remsi %sub3A_264, %select_n3A_269 : i32
          %ne3A_271 = arith.constant 0 : i32
          %ne3A_272 = arith.cmpi ne, %rem3A_270, %ne3A_271 : i32
          %lt3A_273 = arith.constant 0 : i32
          %lt3A_274 = arith.cmpi slt, %rem3A_270, %lt3A_273 : i32
          %lt3A_275 = arith.constant 0 : i32
          %lt3A_276 = arith.cmpi slt, %select_n3A_269, %lt3A_275 : i32
          %ne3A_277 = arith.xori %lt3A_274, %lt3A_276 : i1
          %and3A_278 = arith.andi %ne3A_277, %ne3A_272 : i1
          %add3A_279 = arith.addi %rem3A_270, %select_n3A_269 : i32
          %select_n3A_280 = arith.select %and3A_278, %add3A_279, %rem3A_270 : i32
          %mul3A_281 = arith.constant 16 : i32
          %mul3A_282 = arith.muli %sub3A_264, %mul3A_281 : i32
          %add3A_283 = arith.addi %select_n3A_32, %mul3A_282 : i32
          %dma_wait3A_284 = arith.constant 0 : i32
          %dma_wait3A_285 = arith.constant 0 : i32
          %dma_wait3A_286 = tpu.memref_slice %arg5[%select_n3A_280, %dma_wait3A_284, %dma_wait3A_285] : memref<3x16x1024xf32, #tpu.memory_space<vmem>> -> memref<1x16x1024xf32, #tpu.memory_space<vmem>>
          %dma_wait3A_287 = tpu.memref_squeeze %dma_wait3A_286 : memref<1x16x1024xf32, #tpu.memory_space<vmem>> -> memref<16x1024xf32, #tpu.memory_space<vmem>>
          %dma_wait3A_288 = arith.constant 0 : i32
          %dma_wait3A_289 = tpu.memref_slice %arg4[%select_n3A, %add3A_283, %dma_wait3A_288] : memref<4x8192x1024xf32, #tpu.memory_space<hbm>> -> memref<1x16x1024xf32, #tpu.memory_space<hbm>>
          %dma_wait3A_290 = tpu.memref_squeeze %dma_wait3A_289 : memref<1x16x1024xf32, #tpu.memory_space<hbm>> -> memref<16x1024xf32, #tpu.memory_space<hbm>>
          %dma_wait3A_291 = tpu.memref_slice %arg9[%select_n3A_280] : memref<3x!tpu.dma_semaphore, #tpu.memory_space<semaphore_mem>> -> memref<1x!tpu.dma_semaphore, #tpu.memory_space<semaphore_mem>>
          %dma_wait3A_292 = tpu.memref_squeeze %dma_wait3A_291 : memref<1x!tpu.dma_semaphore, #tpu.memory_space<semaphore_mem>> -> memref<!tpu.dma_semaphore, #tpu.memory_space<semaphore_mem>>
          %dma_wait3A_293 = arith.constant 0 : i32
          %dma_wait3A_294 = tpu.memref_slice %arg4[%select_n3A, %add3A_283, %dma_wait3A_293] : memref<4x8192x1024xf32, #tpu.memory_space<hbm>> -> memref<1x16x1024xf32, #tpu.memory_space<hbm>>
          %dma_wait3A_295 = tpu.memref_squeeze %dma_wait3A_294 : memref<1x16x1024xf32, #tpu.memory_space<hbm>> -> memref<16x1024xf32, #tpu.memory_space<hbm>>
          %dma_wait3A_296 = arith.constant 0 : i32
          %dma_wait3A_297 = arith.constant 0 : i32
          %dma_wait3A_298 = tpu.memref_slice %arg5[%select_n3A_280, %dma_wait3A_296, %dma_wait3A_297] : memref<3x16x1024xf32, #tpu.memory_space<vmem>> -> memref<1x16x1024xf32, #tpu.memory_space<vmem>>
          %dma_wait3A_299 = tpu.memref_squeeze %dma_wait3A_298 : memref<1x16x1024xf32, #tpu.memory_space<vmem>> -> memref<16x1024xf32, #tpu.memory_space<vmem>>
          tpu.wait_dma2 semaphore(%dma_wait3A_292 : memref<!tpu.dma_semaphore, #tpu.memory_space<semaphore_mem>>) src(%dma_wait3A_299 : memref<16x1024xf32, #tpu.memory_space<vmem>>) dst(%dma_wait3A_295 : memref<16x1024xf32, #tpu.memory_space<hbm>>)
        } else {
        }
        %add3A_212 = arith.constant 1 : i32
        %add3A_213 = arith.addi %scan3A_133, %add3A_212 : i32
        %jit3A_214 = arith.constant 3 : i32
        %eq3A_215 = arith.constant 0 : i32
        %eq3A_216 = arith.cmpi eq, %jit3A_214, %eq3A_215 : i32
        %jit3A_217 = arith.constant 1 : i32
        %select_n3A_218 = arith.select %eq3A_216, %jit3A_217, %jit3A_214 : i32
        %rem3A_219 = arith.remsi %add3A_213, %select_n3A_218 : i32
        %ne3A_220 = arith.constant 0 : i32
        %ne3A_221 = arith.cmpi ne, %rem3A_219, %ne3A_220 : i32
        %lt3A_222 = arith.constant 0 : i32
        %lt3A_223 = arith.cmpi slt, %rem3A_219, %lt3A_222 : i32
        %lt3A_224 = arith.constant 0 : i32
        %lt3A_225 = arith.cmpi slt, %select_n3A_218, %lt3A_224 : i32
        %ne3A_226 = arith.xori %lt3A_223, %lt3A_225 : i1
        %and3A_227 = arith.andi %ne3A_226, %ne3A_221 : i1
        %add3A_228 = arith.addi %rem3A_219, %select_n3A_218 : i32
        %select_n3A_229 = arith.select %and3A_227, %add3A_228, %rem3A_219 : i32
        %mul3A_230 = arith.constant 16 : i32
        %mul3A_231 = arith.muli %add3A_213, %mul3A_230 : i32
        %add3A_232 = arith.addi %select_n3A_32, %mul3A_231 : i32
        %dma_start3A_233 = arith.constant 0 : i32
        %dma_start3A_234 = arith.constant 0 : i32
        %dma_start3A_235 = tpu.memref_slice %arg5[%select_n3A_229, %dma_start3A_233, %dma_start3A_234] : memref<3x16x1024xf32, #tpu.memory_space<vmem>> -> memref<1x16x1024xf32, #tpu.memory_space<vmem>>
        %dma_start3A_236 = tpu.memref_squeeze %dma_start3A_235 : memref<1x16x1024xf32, #tpu.memory_space<vmem>> -> memref<16x1024xf32, #tpu.memory_space<vmem>>
        %dma_start3A_237 = arith.constant 0 : i32
        %dma_start3A_238 = tpu.memref_slice %arg2[%select_n3A, %add3A_232, %dma_start3A_237] : memref<4x8192x1024xf32, #tpu.memory_space<hbm>> -> memref<1x16x1024xf32, #tpu.memory_space<hbm>>
        %dma_start3A_239 = tpu.memref_squeeze %dma_start3A_238 : memref<1x16x1024xf32, #tpu.memory_space<hbm>> -> memref<16x1024xf32, #tpu.memory_space<hbm>>
        %dma_start3A_240 = tpu.memref_slice %arg7[%select_n3A_229] : memref<3x!tpu.dma_semaphore, #tpu.memory_space<semaphore_mem>> -> memref<1x!tpu.dma_semaphore, #tpu.memory_space<semaphore_mem>>
        %dma_start3A_241 = tpu.memref_squeeze %dma_start3A_240 : memref<1x!tpu.dma_semaphore, #tpu.memory_space<semaphore_mem>> -> memref<!tpu.dma_semaphore, #tpu.memory_space<semaphore_mem>>
        %dma_start3A_242 = arith.constant 0 : i32
        %dma_start3A_243 = arith.constant 0 : i32
        %dma_start3A_244 = tpu.memref_slice %arg5[%select_n3A_229, %dma_start3A_242, %dma_start3A_243] : memref<3x16x1024xf32, #tpu.memory_space<vmem>> -> memref<1x16x1024xf32, #tpu.memory_space<vmem>>
        %dma_start3A_245 = tpu.memref_squeeze %dma_start3A_244 : memref<1x16x1024xf32, #tpu.memory_space<vmem>> -> memref<16x1024xf32, #tpu.memory_space<vmem>>
        %dma_start3A_246 = arith.constant 0 : i32
        %dma_start3A_247 = tpu.memref_slice %arg2[%select_n3A, %add3A_232, %dma_start3A_246] : memref<4x8192x1024xf32, #tpu.memory_space<hbm>> -> memref<1x16x1024xf32, #tpu.memory_space<hbm>>
        %dma_start3A_248 = tpu.memref_squeeze %dma_start3A_247 : memref<1x16x1024xf32, #tpu.memory_space<hbm>> -> memref<16x1024xf32, #tpu.memory_space<hbm>>
        tpu.enqueue_dma source(%dma_start3A_248 : memref<16x1024xf32, #tpu.memory_space<hbm>>) target(%dma_start3A_245 : memref<16x1024xf32, #tpu.memory_space<vmem>>) target_semaphore(%dma_start3A_241 : memref<!tpu.dma_semaphore, #tpu.memory_space<semaphore_mem>>)
        %dma_start3A_249 = arith.constant 0 : i32
        %dma_start3A_250 = arith.constant 0 : i32
        %dma_start3A_251 = tpu.memref_slice %arg6[%select_n3A_229, %dma_start3A_249, %dma_start3A_250] : memref<3x16x1024xf32, #tpu.memory_space<vmem>> -> memref<1x16x1024xf32, #tpu.memory_space<vmem>>
        %dma_start3A_252 = tpu.memref_squeeze %dma_start3A_251 : memref<1x16x1024xf32, #tpu.memory_space<vmem>> -> memref<16x1024xf32, #tpu.memory_space<vmem>>
        %dma_start3A_253 = arith.constant 0 : i32
        %dma_start3A_254 = tpu.memref_slice %arg3[%add3A_232, %dma_start3A_253] : memref<8192x1024xf32, #tpu.memory_space<hbm>> -> memref<16x1024xf32, #tpu.memory_space<hbm>>
        %dma_start3A_255 = tpu.memref_slice %arg8[%select_n3A_229] : memref<3x!tpu.dma_semaphore, #tpu.memory_space<semaphore_mem>> -> memref<1x!tpu.dma_semaphore, #tpu.memory_space<semaphore_mem>>
        %dma_start3A_256 = tpu.memref_squeeze %dma_start3A_255 : memref<1x!tpu.dma_semaphore, #tpu.memory_space<semaphore_mem>> -> memref<!tpu.dma_semaphore, #tpu.memory_space<semaphore_mem>>
        %dma_start3A_257 = arith.constant 0 : i32
        %dma_start3A_258 = arith.constant 0 : i32
        %dma_start3A_259 = tpu.memref_slice %arg6[%select_n3A_229, %dma_start3A_257, %dma_start3A_258] : memref<3x16x1024xf32, #tpu.memory_space<vmem>> -> memref<1x16x1024xf32, #tpu.memory_space<vmem>>
        %dma_start3A_260 = tpu.memref_squeeze %dma_start3A_259 : memref<1x16x1024xf32, #tpu.memory_space<vmem>> -> memref<16x1024xf32, #tpu.memory_space<vmem>>
        %dma_start3A_261 = arith.constant 0 : i32
        %dma_start3A_262 = tpu.memref_slice %arg3[%add3A_232, %dma_start3A_261] : memref<8192x1024xf32, #tpu.memory_space<hbm>> -> memref<16x1024xf32, #tpu.memory_space<hbm>>
        tpu.enqueue_dma source(%dma_start3A_262 : memref<16x1024xf32, #tpu.memory_space<hbm>>) target(%dma_start3A_260 : memref<16x1024xf32, #tpu.memory_space<vmem>>) target_semaphore(%dma_start3A_256 : memref<!tpu.dma_semaphore, #tpu.memory_space<semaphore_mem>>)
      } else {
      }
      %dma_wait3A_159 = arith.constant 0 : i32
      %dma_wait3A_160 = arith.constant 0 : i32
      %dma_wait3A_161 = tpu.memref_slice %arg5[%select_n3A_150, %dma_wait3A_159, %dma_wait3A_160] : memref<3x16x1024xf32, #tpu.memory_space<vmem>> -> memref<1x16x1024xf32, #tpu.memory_space<vmem>>
      %dma_wait3A_162 = tpu.memref_squeeze %dma_wait3A_161 : memref<1x16x1024xf32, #tpu.memory_space<vmem>> -> memref<16x1024xf32, #tpu.memory_space<vmem>>
      %dma_wait3A_163 = arith.constant 0 : i32
      %dma_wait3A_164 = tpu.memref_slice %arg2[%select_n3A, %add3A_153, %dma_wait3A_163] : memref<4x8192x1024xf32, #tpu.memory_space<hbm>> -> memref<1x16x1024xf32, #tpu.memory_space<hbm>>
      %dma_wait3A_165 = tpu.memref_squeeze %dma_wait3A_164 : memref<1x16x1024xf32, #tpu.memory_space<hbm>> -> memref<16x1024xf32, #tpu.memory_space<hbm>>
      %dma_wait3A_166 = tpu.memref_slice %arg7[%select_n3A_150] : memref<3x!tpu.dma_semaphore, #tpu.memory_space<semaphore_mem>> -> memref<1x!tpu.dma_semaphore, #tpu.memory_space<semaphore_mem>>
      %dma_wait3A_167 = tpu.memref_squeeze %dma_wait3A_166 : memref<1x!tpu.dma_semaphore, #tpu.memory_space<semaphore_mem>> -> memref<!tpu.dma_semaphore, #tpu.memory_space<semaphore_mem>>
      %dma_wait3A_168 = arith.constant 0 : i32
      %dma_wait3A_169 = arith.constant 0 : i32
      %dma_wait3A_170 = tpu.memref_slice %arg5[%select_n3A_150, %dma_wait3A_168, %dma_wait3A_169] : memref<3x16x1024xf32, #tpu.memory_space<vmem>> -> memref<1x16x1024xf32, #tpu.memory_space<vmem>>
      %dma_wait3A_171 = tpu.memref_squeeze %dma_wait3A_170 : memref<1x16x1024xf32, #tpu.memory_space<vmem>> -> memref<16x1024xf32, #tpu.memory_space<vmem>>
      %dma_wait3A_172 = arith.constant 0 : i32
      %dma_wait3A_173 = tpu.memref_slice %arg2[%select_n3A, %add3A_153, %dma_wait3A_172] : memref<4x8192x1024xf32, #tpu.memory_space<hbm>> -> memref<1x16x1024xf32, #tpu.memory_space<hbm>>
      %dma_wait3A_174 = tpu.memref_squeeze %dma_wait3A_173 : memref<1x16x1024xf32, #tpu.memory_space<hbm>> -> memref<16x1024xf32, #tpu.memory_space<hbm>>
      tpu.wait_dma2 semaphore(%dma_wait3A_167 : memref<!tpu.dma_semaphore, #tpu.memory_space<semaphore_mem>>) src(%dma_wait3A_174 : memref<16x1024xf32, #tpu.memory_space<hbm>>) dst(%dma_wait3A_171 : memref<16x1024xf32, #tpu.memory_space<vmem>>)
      %dma_wait3A_175 = arith.constant 0 : i32
      %dma_wait3A_176 = arith.constant 0 : i32
      %dma_wait3A_177 = tpu.memref_slice %arg6[%select_n3A_150, %dma_wait3A_175, %dma_wait3A_176] : memref<3x16x1024xf32, #tpu.memory_space<vmem>> -> memref<1x16x1024xf32, #tpu.memory_space<vmem>>
      %dma_wait3A_178 = tpu.memref_squeeze %dma_wait3A_177 : memref<1x16x1024xf32, #tpu.memory_space<vmem>> -> memref<16x1024xf32, #tpu.memory_space<vmem>>
      %dma_wait3A_179 = arith.constant 0 : i32
      %dma_wait3A_180 = tpu.memref_slice %arg3[%add3A_153, %dma_wait3A_179] : memref<8192x1024xf32, #tpu.memory_space<hbm>> -> memref<16x1024xf32, #tpu.memory_space<hbm>>
      %dma_wait3A_181 = tpu.memref_slice %arg8[%select_n3A_150] : memref<3x!tpu.dma_semaphore, #tpu.memory_space<semaphore_mem>> -> memref<1x!tpu.dma_semaphore, #tpu.memory_space<semaphore_mem>>
      %dma_wait3A_182 = tpu.memref_squeeze %dma_wait3A_181 : memref<1x!tpu.dma_semaphore, #tpu.memory_space<semaphore_mem>> -> memref<!tpu.dma_semaphore, #tpu.memory_space<semaphore_mem>>
      %dma_wait3A_183 = arith.constant 0 : i32
      %dma_wait3A_184 = arith.constant 0 : i32
      %dma_wait3A_185 = tpu.memref_slice %arg6[%select_n3A_150, %dma_wait3A_183, %dma_wait3A_184] : memref<3x16x1024xf32, #tpu.memory_space<vmem>> -> memref<1x16x1024xf32, #tpu.memory_space<vmem>>
      %dma_wait3A_186 = tpu.memref_squeeze %dma_wait3A_185 : memref<1x16x1024xf32, #tpu.memory_space<vmem>> -> memref<16x1024xf32, #tpu.memory_space<vmem>>
      %dma_wait3A_187 = arith.constant 0 : i32
      %dma_wait3A_188 = tpu.memref_slice %arg3[%add3A_153, %dma_wait3A_187] : memref<8192x1024xf32, #tpu.memory_space<hbm>> -> memref<16x1024xf32, #tpu.memory_space<hbm>>
      tpu.wait_dma2 semaphore(%dma_wait3A_182 : memref<!tpu.dma_semaphore, #tpu.memory_space<semaphore_mem>>) src(%dma_wait3A_188 : memref<16x1024xf32, #tpu.memory_space<hbm>>) dst(%dma_wait3A_186 : memref<16x1024xf32, #tpu.memory_space<vmem>>)
      %parallel_loop3A = arith.constant 0 : i32
      %parallel_loop3A_189 = arith.constant 1024 : i32
      %parallel_loop3A_190 = arith.constant 1 : i32
      scf.for %parallel_loop3A_208 = %parallel_loop3A to %parallel_loop3A_189 step %parallel_loop3A_190  : i32 {
        %parallel_loop3A_209 = arith.constant 6 : i32
        %parallel_loop3A_210 = arith.shrsi %parallel_loop3A_208, %parallel_loop3A_209 : i32
        %parallel_loop3A_211 = arith.constant 63 : i32
        %parallel_loop3A_212 = arith.andi %parallel_loop3A_208, %parallel_loop3A_211 : i32
        %parallel_loop3A_213 = arith.constant 16 : i32
        %parallel_loop3A_214 = arith.muli %parallel_loop3A_212, %parallel_loop3A_213 : i32
        %parallel_loop3A_215 = arith.index_cast %select_n3A_150 : i32 to index
        %parallel_loop3A_216 = arith.index_cast %parallel_loop3A_210 : i32 to index
        %parallel_loop3A_217 = arith.index_cast %parallel_loop3A_214 : i32 to index
        %parallel_loop3A_218 = tpu.vector_load %arg5[%parallel_loop3A_215, %parallel_loop3A_216, %parallel_loop3A_217] {strides = array<i32>} : memref<3x16x1024xf32, #tpu.memory_space<vmem>>, vector<1x1x16xf32>,
        %parallel_loop3A_219 = vector.shape_cast %parallel_loop3A_218 : vector<1x1x16xf32> to vector<16xf32>
        %parallel_loop3A_220 = arith.index_cast %select_n3A_150 : i32 to index
        %parallel_loop3A_221 = arith.index_cast %parallel_loop3A_210 : i32 to index
        %parallel_loop3A_222 = arith.index_cast %parallel_loop3A_214 : i32 to index
        %parallel_loop3A_223 = tpu.vector_load %arg6[%parallel_loop3A_220, %parallel_loop3A_221, %parallel_loop3A_222] {strides = array<i32>} : memref<3x16x1024xf32, #tpu.memory_space<vmem>>, vector<1x1x16xf32>,
        %parallel_loop3A_224 = vector.shape_cast %parallel_loop3A_223 : vector<1x1x16xf32> to vector<16xf32>
        %parallel_loop3A_225 = arith.addf %parallel_loop3A_219, %parallel_loop3A_224 : vector<16xf32>
        %parallel_loop3A_226 = arith.index_cast %select_n3A_150 : i32 to index
        %parallel_loop3A_227 = arith.index_cast %parallel_loop3A_210 : i32 to index
        %parallel_loop3A_228 = arith.index_cast %parallel_loop3A_214 : i32 to index
        %parallel_loop3A_229 = tpu.vector_load %arg5[%parallel_loop3A_226, %parallel_loop3A_227, %parallel_loop3A_228] {strides = array<i32>} : memref<3x16x1024xf32, #tpu.memory_space<vmem>>, vector<1x1x16xf32>,
        %parallel_loop3A_230 = vector.shape_cast %parallel_loop3A_229 : vector<1x1x16xf32> to vector<16xf32>
        %parallel_loop3A_231 = vector.shape_cast %parallel_loop3A_225 : vector<16xf32> to vector<1x1x16xf32>
        tpu.vector_store %arg5[%parallel_loop3A_226, %parallel_loop3A_227, %parallel_loop3A_228], %parallel_loop3A_231 {strides = array<i32>} : memref<3x16x1024xf32, #tpu.memory_space<vmem>>, vector<1x1x16xf32>,
      } {sc.loop_unroll_factor = 8 : i64, sc.parallel_access}
      %dma_start3A_191 = arith.constant 0 : i32
      %dma_start3A_192 = arith.constant 0 : i32
      %dma_start3A_193 = tpu.memref_slice %arg5[%select_n3A_150, %dma_start3A_191, %dma_start3A_192] : memref<3x16x1024xf32, #tpu.memory_space<vmem>> -> memref<1x16x1024xf32, #tpu.memory_space<vmem>>
      %dma_start3A_194 = tpu.memref_squeeze %dma_start3A_193 : memref<1x16x1024xf32, #tpu.memory_space<vmem>> -> memref<16x1024xf32, #tpu.memory_space<vmem>>
      %dma_start3A_195 = arith.constant 0 : i32
      %dma_start3A_196 = tpu.memref_slice %arg4[%select_n3A, %add3A_153, %dma_start3A_195] : memref<4x8192x1024xf32, #tpu.memory_space<hbm>> -> memref<1x16x1024xf32, #tpu.memory_space<hbm>>
      %dma_start3A_197 = tpu.memref_squeeze %dma_start3A_196 : memref<1x16x1024xf32, #tpu.memory_space<hbm>> -> memref<16x1024xf32, #tpu.memory_space<hbm>>
      %dma_start3A_198 = tpu.memref_slice %arg9[%select_n3A_150] : memref<3x!tpu.dma_semaphore, #tpu.memory_space<semaphore_mem>> -> memref<1x!tpu.dma_semaphore, #tpu.memory_space<semaphore_mem>>
      %dma_start3A_199 = tpu.memref_squeeze %dma_start3A_198 : memref<1x!tpu.dma_semaphore, #tpu.memory_space<semaphore_mem>> -> memref<!tpu.dma_semaphore, #tpu.memory_space<semaphore_mem>>
      %dma_start3A_200 = arith.constant 0 : i32
      %dma_start3A_201 = tpu.memref_slice %arg4[%select_n3A, %add3A_153, %dma_start3A_200] : memref<4x8192x1024xf32, #tpu.memory_space<hbm>> -> memref<1x16x1024xf32, #tpu.memory_space<hbm>>
      %dma_start3A_202 = tpu.memref_squeeze %dma_start3A_201 : memref<1x16x1024xf32, #tpu.memory_space<hbm>> -> memref<16x1024xf32, #tpu.memory_space<hbm>>
      %dma_start3A_203 = arith.constant 0 : i32
      %dma_start3A_204 = arith.constant 0 : i32
      %dma_start3A_205 = tpu.memref_slice %arg5[%select_n3A_150, %dma_start3A_203, %dma_start3A_204] : memref<3x16x1024xf32, #tpu.memory_space<vmem>> -> memref<1x16x1024xf32, #tpu.memory_space<vmem>>
      %dma_start3A_206 = tpu.memref_squeeze %dma_start3A_205 : memref<1x16x1024xf32, #tpu.memory_space<vmem>> -> memref<16x1024xf32, #tpu.memory_space<vmem>>
      tpu.enqueue_dma source(%dma_start3A_206 : memref<16x1024xf32, #tpu.memory_space<vmem>>) target(%dma_start3A_202 : memref<16x1024xf32, #tpu.memory_space<hbm>>) target_semaphore(%dma_start3A_199 : memref<!tpu.dma_semaphore, #tpu.memory_space<semaphore_mem>>)
      %scan3A_207 = arith.constant 0 : i32
      scf.yield %scan3A_207 : i32
    }
    %scan3A_73 = arith.constant 64 : i32
    %add3A_74 = arith.constant 976 : i32
    %add3A_75 = arith.addi %select_n3A_32, %add3A_74 : i32
    %dma_wait3A = arith.constant 1 : i32
    %dma_wait3A_76 = arith.constant 1 : i32
    %dma_wait3A_77 = arith.constant 0 : i32
    %dma_wait3A_78 = arith.constant 0 : i32
    %dma_wait3A_79 = tpu.memref_slice %arg5[%dma_wait3A, %dma_wait3A_77, %dma_wait3A_78] : memref<3x16x1024xf32, #tpu.memory_space<vmem>> -> memref<1x16x1024xf32, #tpu.memory_space<vmem>>
    %dma_wait3A_80 = tpu.memref_squeeze %dma_wait3A_79 : memref<1x16x1024xf32, #tpu.memory_space<vmem>> -> memref<16x1024xf32, #tpu.memory_space<vmem>>
    %dma_wait3A_81 = arith.constant 0 : i32
    %dma_wait3A_82 = tpu.memref_slice %arg4[%select_n3A, %add3A_75, %dma_wait3A_81] : memref<4x8192x1024xf32, #tpu.memory_space<hbm>> -> memref<1x16x1024xf32, #tpu.memory_space<hbm>>
    %dma_wait3A_83 = tpu.memref_squeeze %dma_wait3A_82 : memref<1x16x1024xf32, #tpu.memory_space<hbm>> -> memref<16x1024xf32, #tpu.memory_space<hbm>>
    %dma_wait3A_84 = tpu.memref_slice %arg9[%dma_wait3A_76] : memref<3x!tpu.dma_semaphore, #tpu.memory_space<semaphore_mem>> -> memref<1x!tpu.dma_semaphore, #tpu.memory_space<semaphore_mem>>
    %dma_wait3A_85 = tpu.memref_squeeze %dma_wait3A_84 : memref<1x!tpu.dma_semaphore, #tpu.memory_space<semaphore_mem>> -> memref<!tpu.dma_semaphore, #tpu.memory_space<semaphore_mem>>
    %dma_wait3A_86 = arith.constant 0 : i32
    %dma_wait3A_87 = tpu.memref_slice %arg4[%select_n3A, %add3A_75, %dma_wait3A_86] : memref<4x8192x1024xf32, #tpu.memory_space<hbm>> -> memref<1x16x1024xf32, #tpu.memory_space<hbm>>
    %dma_wait3A_88 = tpu.memref_squeeze %dma_wait3A_87 : memref<1x16x1024xf32, #tpu.memory_space<hbm>> -> memref<16x1024xf32, #tpu.memory_space<hbm>>
    %dma_wait3A_89 = arith.constant 0 : i32
    %dma_wait3A_90 = arith.constant 0 : i32
    %dma_wait3A_91 = tpu.memref_slice %arg5[%dma_wait3A, %dma_wait3A_89, %dma_wait3A_90] : memref<3x16x1024xf32, #tpu.memory_space<vmem>> -> memref<1x16x1024xf32, #tpu.memory_space<vmem>>
    %dma_wait3A_92 = tpu.memref_squeeze %dma_wait3A_91 : memref<1x16x1024xf32, #tpu.memory_space<vmem>> -> memref<16x1024xf32, #tpu.memory_space<vmem>>
    tpu.wait_dma2 semaphore(%dma_wait3A_85 : memref<!tpu.dma_semaphore, #tpu.memory_space<semaphore_mem>>) src(%dma_wait3A_92 : memref<16x1024xf32, #tpu.memory_space<vmem>>) dst(%dma_wait3A_88 : memref<16x1024xf32, #tpu.memory_space<hbm>>)
    %add3A_93 = arith.constant 992 : i32
    %add3A_94 = arith.addi %select_n3A_32, %add3A_93 : i32
    %dma_wait3A_95 = arith.constant 2 : i32
    %dma_wait3A_96 = arith.constant 2 : i32
    %dma_wait3A_97 = arith.constant 0 : i32
    %dma_wait3A_98 = arith.constant 0 : i32
    %dma_wait3A_99 = tpu.memref_slice %arg5[%dma_wait3A_95, %dma_wait3A_97, %dma_wait3A_98] : memref<3x16x1024xf32, #tpu.memory_space<vmem>> -> memref<1x16x1024xf32, #tpu.memory_space<vmem>>
    %dma_wait3A_100 = tpu.memref_squeeze %dma_wait3A_99 : memref<1x16x1024xf32, #tpu.memory_space<vmem>> -> memref<16x1024xf32, #tpu.memory_space<vmem>>
    %dma_wait3A_101 = arith.constant 0 : i32
    %dma_wait3A_102 = tpu.memref_slice %arg4[%select_n3A, %add3A_94, %dma_wait3A_101] : memref<4x8192x1024xf32, #tpu.memory_space<hbm>> -> memref<1x16x1024xf32, #tpu.memory_space<hbm>>
    %dma_wait3A_103 = tpu.memref_squeeze %dma_wait3A_102 : memref<1x16x1024xf32, #tpu.memory_space<hbm>> -> memref<16x1024xf32, #tpu.memory_space<hbm>>
    %dma_wait3A_104 = tpu.memref_slice %arg9[%dma_wait3A_96] : memref<3x!tpu.dma_semaphore, #tpu.memory_space<semaphore_mem>> -> memref<1x!tpu.dma_semaphore, #tpu.memory_space<semaphore_mem>>
    %dma_wait3A_105 = tpu.memref_squeeze %dma_wait3A_104 : memref<1x!tpu.dma_semaphore, #tpu.memory_space<semaphore_mem>> -> memref<!tpu.dma_semaphore, #tpu.memory_space<semaphore_mem>>
    %dma_wait3A_106 = arith.constant 0 : i32
    %dma_wait3A_107 = tpu.memref_slice %arg4[%select_n3A, %add3A_94, %dma_wait3A_106] : memref<4x8192x1024xf32, #tpu.memory_space<hbm>> -> memref<1x16x1024xf32, #tpu.memory_space<hbm>>
    %dma_wait3A_108 = tpu.memref_squeeze %dma_wait3A_107 : memref<1x16x1024xf32, #tpu.memory_space<hbm>> -> memref<16x1024xf32, #tpu.memory_space<hbm>>
    %dma_wait3A_109 = arith.constant 0 : i32
    %dma_wait3A_110 = arith.constant 0 : i32
    %dma_wait3A_111 = tpu.memref_slice %arg5[%dma_wait3A_95, %dma_wait3A_109, %dma_wait3A_110] : memref<3x16x1024xf32, #tpu.memory_space<vmem>> -> memref<1x16x1024xf32, #tpu.memory_space<vmem>>
    %dma_wait3A_112 = tpu.memref_squeeze %dma_wait3A_111 : memref<1x16x1024xf32, #tpu.memory_space<vmem>> -> memref<16x1024xf32, #tpu.memory_space<vmem>>
    tpu.wait_dma2 semaphore(%dma_wait3A_105 : memref<!tpu.dma_semaphore, #tpu.memory_space<semaphore_mem>>) src(%dma_wait3A_112 : memref<16x1024xf32, #tpu.memory_space<vmem>>) dst(%dma_wait3A_108 : memref<16x1024xf32, #tpu.memory_space<hbm>>)
    %add3A_113 = arith.constant 1008 : i32
    %add3A_114 = arith.addi %select_n3A_32, %add3A_113 : i32
    %dma_wait3A_115 = arith.constant 0 : i32
    %dma_wait3A_116 = arith.constant 0 : i32
    %dma_wait3A_117 = arith.constant 0 : i32
    %dma_wait3A_118 = arith.constant 0 : i32
    %dma_wait3A_119 = tpu.memref_slice %arg5[%dma_wait3A_115, %dma_wait3A_117, %dma_wait3A_118] : memref<3x16x1024xf32, #tpu.memory_space<vmem>> -> memref<1x16x1024xf32, #tpu.memory_space<vmem>>
    %dma_wait3A_120 = tpu.memref_squeeze %dma_wait3A_119 : memref<1x16x1024xf32, #tpu.memory_space<vmem>> -> memref<16x1024xf32, #tpu.memory_space<vmem>>
    %dma_wait3A_121 = arith.constant 0 : i32
    %dma_wait3A_122 = tpu.memref_slice %arg4[%select_n3A, %add3A_114, %dma_wait3A_121] : memref<4x8192x1024xf32, #tpu.memory_space<hbm>> -> memref<1x16x1024xf32, #tpu.memory_space<hbm>>
    %dma_wait3A_123 = tpu.memref_squeeze %dma_wait3A_122 : memref<1x16x1024xf32, #tpu.memory_space<hbm>> -> memref<16x1024xf32, #tpu.memory_space<hbm>>
    %dma_wait3A_124 = tpu.memref_slice %arg9[%dma_wait3A_116] : memref<3x!tpu.dma_semaphore, #tpu.memory_space<semaphore_mem>> -> memref<1x!tpu.dma_semaphore, #tpu.memory_space<semaphore_mem>>
    %dma_wait3A_125 = tpu.memref_squeeze %dma_wait3A_124 : memref<1x!tpu.dma_semaphore, #tpu.memory_space<semaphore_mem>> -> memref<!tpu.dma_semaphore, #tpu.memory_space<semaphore_mem>>
    %dma_wait3A_126 = arith.constant 0 : i32
    %dma_wait3A_127 = tpu.memref_slice %arg4[%select_n3A, %add3A_114, %dma_wait3A_126] : memref<4x8192x1024xf32, #tpu.memory_space<hbm>> -> memref<1x16x1024xf32, #tpu.memory_space<hbm>>
    %dma_wait3A_128 = tpu.memref_squeeze %dma_wait3A_127 : memref<1x16x1024xf32, #tpu.memory_space<hbm>> -> memref<16x1024xf32, #tpu.memory_space<hbm>>
    %dma_wait3A_129 = arith.constant 0 : i32
    %dma_wait3A_130 = arith.constant 0 : i32
    %dma_wait3A_131 = tpu.memref_slice %arg5[%dma_wait3A_115, %dma_wait3A_129, %dma_wait3A_130] : memref<3x16x1024xf32, #tpu.memory_space<vmem>> -> memref<1x16x1024xf32, #tpu.memory_space<vmem>>
    %dma_wait3A_132 = tpu.memref_squeeze %dma_wait3A_131 : memref<1x16x1024xf32, #tpu.memory_space<vmem>> -> memref<16x1024xf32, #tpu.memory_space<vmem>>
    tpu.wait_dma2 semaphore(%dma_wait3A_125 : memref<!tpu.dma_semaphore, #tpu.memory_space<semaphore_mem>>) src(%dma_wait3A_132 : memref<16x1024xf32, #tpu.memory_space<vmem>>) dst(%dma_wait3A_128 : memref<16x1024xf32, #tpu.memory_space<hbm>>)
    return
  }
}

</mosaic_0001>

<sc_bundles>
// kernel: kernel.3.cloned.1.call-start
scs
__scs_entry_jumppad:
0x0: {  	(pc) =	sbr.rel $0x88, $3  }
0x1: {  	(tag) =	ssettag $0x0;
	lr =	simm.s32 $0x1  }
0x2: {  	[smem:$0x3F9F] =	sst lr;
	_ =	strace $0xD0000000  }
0x3: {  	_ = 	snop  }
0x4: {  	_ = 	snop  }
0x5: {  	_ = 	snop  }
0x6: {  	_ = 	snop  }
0x7: {  	_ = 	snop  }
__scs_overlays_trampoline_lowered:
0x8: {  	[smem:$0x3FAE] =	sst s0  }
0x9: {  	[smem:$0x3FAF] =	sst s1  }
0xa: {  	[smem:$0x3FB0] =	sst s2  }
0xb: {  	[smem:$0x3FB1] =	sst s3  }
0xc: {  	[smem:$0x3FB2] =	sst s4  }
0xd: {  	[smem:$0x3FB3] =	sst s5  }
0xe: {  	[smem:$0x3FB4] =	sst s6  }
0xf: {  	[smem:$0x3FB5] =	sst s7  }
0x10: {  	[smem:$0x3FB6] =	sst s8  }
0x11: {  	[smem:$0x3FB7] =	sst s9;
	s0 =	simm.s32 @!p0 $0x0  }
0x12: {  	s1 =	sld [smem:$0x3F9D];
	s0 =	simm.s32 @p0 $0x1  }
0x13: {  	[smem:$0x3FB8] =	sst s0;
	s0 =	simm.s32 @!p1 $0x0  }
0x14: {  	s2 =	sld [smem:$0x3F9C];
	s0 =	simm.s32 @p1 $0x1  }
0x15: {  	[smem:$0x3FB9] =	sst s0;
	s0 =	simm.s32 @!p2 $0x0  }
0x16: {  	s3 =	sld [smem:$0x3FDB];
	s0 =	simm.s32 @p2 $0x1  }
0x17: {  	s4 =	simm.s32 $0x1BF5;
	[smem:$0x3FBB] =	sst s0  }
0x18: {  	s0 =	sld [smem:$0x3F9E];
	_ =	swait.ge [sflag:s4], $0x0  }
0x19: {  	s7 =	sld [smem:$0x3F9F]  }
0x1a: {  	s8 =	sadd.s32 $0xFFFFE003, lr  }
0x1b: {  	s9 =	sadd.s32 $0xFFFFFEF7, lr;
	s5 =	simm.s32 $0xFFFFFFFF;
	p2 =	slt.u32 s8, $0xFFFFF086  }
0x1c: {  	p1 =	slt.u32 s9, $0xF7A;
	s5 =	simm.s32 @!p2 $0x0  }
0x1d: {  	s5 =	simm.s32 @p1 $0x1;
	p0 =	seq.s32 s7, s2  }
0x1e: {  	s7 =	smul.u32 @!p0 $0xF7A, s2;
	p2 =	seq.s32 @!p0 s5, $0x0  }
0x1f: {  	s9 =	smul.u32 $0xF7A, s1;
	s8 =	simm.s32 @!p0 $0x1BF5;
	p2 =	por !p2, p0  }
0x20: {  	[sflag:s8] =	ssyncset.s32 @!p0 $0xFFFFF086;
	s6 =	sadd.s32 @!p0 s3, s7;
	s7 =	simm.s32 @!p0 $0x108  }
0x21: {  	s3 =	sadd.s32 s3, s9;
	s6 =	sadd.s32 @!p0 $0x88, s6;
	s7 =	simm.s32 @p2 $0x1082  }
0x22: {  	[simem:s7], [sflag:s8] =	dma.local @!p0 [hbm:s6], $0xF7A  }
0x23: {  	s9 =	sor.u32 $0xD0000000, s2;
	s6 =	simm.s32 $0x108;
	_ =	swait.ge @!p0 [sflag:s8], $0x0  }
0x24: {  	s3 =	sadd.s32 $0x88, s3;
	s6 =	simm.s32 @!p1 $0x1082;
	[sflag:s4] =	ssyncset.s32 $0xFFFFF086  }
0x25: {  	[simem:s6], [sflag:s4] =	dma.local [hbm:s3], $0xF7A  }
0x26: {  	[smem:$0x3F9F] =	sst s1;
	(tag) =	ssettag s2;
	_ =	strace s9  }
0x27: {  	s1 =	sld [smem:$0x3FAF]  }
0x28: {  	s2 =	sld [smem:$0x3FB0]  }
0x29: {  	s4 =	sld [smem:$0x3FB2]  }
0x2a: {  	p0 =	seq.s32 s5, $0x0;
	s5 =	sld [smem:$0x3FB3]  }
0x2b: {  	s6 =	sld [smem:$0x3FB4]  }
0x2c: {  	s7 =	sld [smem:$0x3FB5]  }
0x2d: {  	s3 =	simm.s32 $0x108;
	s8 =	sld [smem:$0x3FB6]  }
0x2e: {  	s3 =	simm.s32 @!p0 $0x1082;
	s9 =	sld [smem:$0x3FB7]  }
0x2f: {  	lr =	sadd.s32 s0, s3;
	s0 =	sld [smem:$0x3FAE]  }
0x30: {  	s3 =	sld [smem:$0x3FB1]  }
0x31: {  	[smem:$0x3FBA] =	sst s10  }
0x32: {  	s10 =	sld [smem:$0x3FB8];
	_ =	sdelay $0x3  }
0x33: {  	p0 =	seq.s32 s10, $0x1;
	s10 =	sld [smem:$0x3FBA];
	_ =	sdelay $0x3  }
0x34: {  	[smem:$0x3FBA] =	sst s10  }
0x35: {  	s10 =	sld [smem:$0x3FB9];
	_ =	sdelay $0x3  }
0x36: {  	p1 =	seq.s32 s10, $0x1;
	s10 =	sld [smem:$0x3FBA];
	_ =	sdelay $0x3  }
0x37: {  	[smem:$0x3FBA] =	sst s10  }
0x38: {  	s10 =	sld [smem:$0x3FBB]  }
0x39: {  	_ = 	snop;
	(pc) =	sbr.ind lr, $3  }
0x3a: {  	_ = 	snop  }
0x3b: {  	_ = 	snop  }
0x3c: {  	p2 =	seq.s32 s10, $0x1;
	s10 =	sld [smem:$0x3FBA]  }
0x3d: {  	_ =	shalt  }
0x3e: {  	_ =	shalt  }
0x3f: {  	_ =	shalt  }
0x40: {  	_ =	shalt  }
0x41: {  	_ =	shalt  }
0x42: {  	_ =	shalt  }
0x43: {  	_ =	shalt  }
0x44: {  	_ =	shalt  }
0x45: {  	_ =	shalt  }
0x46: {  	_ =	shalt  }
0x47: {  	_ =	shalt  }
0x48: {  	_ =	shalt  }
0x49: {  	_ =	shalt  }
0x4a: {  	_ =	shalt  }
0x4b: {  	_ =	shalt  }
0x4c: {  	_ =	shalt  }
0x4d: {  	_ =	shalt  }
0x4e: {  	_ =	shalt  }
0x4f: {  	_ =	shalt  }
0x50: {  	_ =	shalt  }
0x51: {  	_ =	shalt  }
0x52: {  	_ =	shalt  }
0x53: {  	_ =	shalt  }
0x54: {  	_ =	shalt  }
0x55: {  	_ =	shalt  }
0x56: {  	_ =	shalt  }
0x57: {  	_ =	shalt  }
0x58: {  	_ =	shalt  }
0x59: {  	_ =	shalt  }
0x5a: {  	_ =	shalt  }
0x5b: {  	_ =	shalt  }
0x5c: {  	_ =	shalt  }
0x5d: {  	_ =	shalt  }
0x5e: {  	_ =	shalt  }
0x5f: {  	_ =	shalt  }
0x60: {  	_ =	shalt  }
0x61: {  	_ =	shalt  }
0x62: {  	_ =	shalt  }
0x63: {  	_ =	shalt  }
0x64: {  	_ =	shalt  }
0x65: {  	_ =	shalt  }
0x66: {  	_ =	shalt  }
0x67: {  	_ =	shalt  }
0x68: {  	_ =	shalt  }
0x69: {  	_ =	shalt  }
0x6a: {  	_ =	shalt  }
0x6b: {  	_ =	shalt  }
0x6c: {  	_ =	shalt  }
0x6d: {  	_ =	shalt  }
0x6e: {  	_ =	shalt  }
0x6f: {  	_ =	shalt  }
0x70: {  	_ =	shalt  }
0x71: {  	_ =	shalt  }
0x72: {  	_ =	shalt  }
0x73: {  	_ =	shalt  }
0x74: {  	_ =	shalt  }
0x75: {  	_ =	shalt  }
0x76: {  	_ =	shalt  }
0x77: {  	_ =	shalt  }
0x78: {  	_ =	shalt  }
0x79: {  	_ =	shalt  }
0x7a: {  	_ =	shalt  }
0x7b: {  	_ =	shalt  }
0x7c: {  	_ =	shalt  }
0x7d: {  	_ =	shalt  }
0x7e: {  	_ =	shalt  }
0x7f: {  	_ =	shalt  }
0x80: {  	_ =	shalt  }
0x81: {  	_ =	shalt  }
0x82: {  	_ =	shalt  }
0x83: {  	_ =	shalt  }
0x84: {  	_ =	shalt  }
0x85: {  	_ =	shalt  }
0x86: {  	_ =	shalt  }
0x87: {  	_ =	shalt  }
.Lfunc_end0:
.L_simem_size_0:
called_computation_lowered:
.L_overlay_start_0:
0x88: {  	s2 =	sld [smem:$0x3FD9]  }
0x89: {  	s3 =	sld [smem:$0x3FFE];
	_ =	sdelay $0x1  }
0x8a: {  	s1 =	srdreg.scid  }
0x8b: {  	s0 =	sand.u32 $0x1, s1  }
0x8c: {  	s18 =	sshll.u32 s0, $0xA;
	s2 =	sadd.s32 s3, s2  }
0x8d: {  	s2 =	sadd.s32 s2, s18  }
0x8e: {  	[smem:$0x3FC6] =	sst s2  }
0x8f: {  	_ = 	snop  }
0x90: {  	s2 =	sld [smem:$0x3FC9]  }
0x91: {  	s19 =	sld [smem:$0x3FC8]  }
0x92: {  	s4 =	sld [smem:$0x3FD0];
	(tm) =	ssettm $0x1  }
0x93: {  	s5 =	sld [smem:$0x3FFB];
	_ =	sdelay $0x3  }
0x94: {  	_ =	strace s5  }
0x95: {  	s5 =	sld [smem:$0x3FFC];
	_ =	sdelay $0x3  }
0x96: {  	_ =	strace s5  }
0x97: {  	s5 =	sld [smem:$0x3FFD];
	_ =	sdelay $0x3  }
0x98: {  	_ =	strace s5  }
0x99: {  	_ =	strace $0x8FFFFFFF  }
0x9a: {  	s20 =	sld [smem:$0x3FDB];
	_ =	sdelay $0x1  }
0x9b: {  	s6 =	simm.s32 $_scs_section_size  }
0x9c: {  	s7 =	simm.s32 $_size__tile_overlayer_lowered;
	s8 =	simm.s32 $_tile_overlayer_lowered  }
0x9d: {  	s23 =	simm.s32 $0x1BFF;
	s22 =	sshll.u32 s8, $0x1;
	s5 =	sadd.s32 s6, s20  }
0x9e: {  	s9 =	simm.s32 $0x0;
	s21 =	sshll.u32 s7, $0x1;
	s7 =	sadd.s32 s22, s5  }
0x9f: {  	[timem:s9], [sflag:s23] =	dma.local [hbm:s7], s21  }
0xa0: {  	_ =	swait.ge [sflag:s23], s21  }
0xa1: {  	s6 =	ssub.s32 $0x0, s21;
	[sflag:s23] =	ssyncset.done $0x0  }
0xa2: {  	[sflag:s23] =	ssyncadd.s32 s6;
	_ =	sdelay $0x1  }
0xa3: {  	s24 =	simm.s32 $0x1B8B  }
0xa4: {  	_ =	swait.ge [sflag:s24], $0x1  }
0xa5: {  	[sflag:s24] =	ssyncset.done $0x0  }
0xa6: {  	s25 =	simm.s32 $0x1B8E;
	[sflag:s24] =	ssyncadd.s32 $0xFFFFFFFF  }
0xa7: {  	s26 =	simm.s32 $execute0_lowered;
	[smem:$0x3FD2] =	sst s25  }
0xa8: {  	s6 =	sshll.u32 s26, $0x1;
	_ =	strace $0x80000046;
	[dreg:$0x1] =	wrdreg $0xFFFFFFFF  }
0xa9: {  	s28 =	simm.s32 $_size_execute0_lowered;
	s5 =	sadd.s32 s5, s6;
	[dreg:$0x0] =	wrdreg $0x0  }
0xaa: {  	s6 =	sshll.u32 s28, $0x1;
	[dreg:$0x2] =	wrdreg s5  }
0xab: {  	[dreg:$0x3] =	wrdreg s6  }
0xac: {  	[dreg:$0x4] =	wrdreg $0xC0  }
0xad: {  	_ =	task [dreg:s9], $0x5FFFF  }
0xae: {  	[dreg:$0x1] =	wrdreg $0xFFFFFFFF  }
0xaf: {  	[dreg:$0x0] =	wrdreg $0x60  }
0xb0: {  	[dreg:$0x2] =	wrdreg s2  }
0xb1: {  	[dreg:$0x3] =	wrdreg s19  }
0xb2: {  	[dreg:$0x4] =	wrdreg s4  }
0xb3: {  	[dreg:$0x5] =	wrdreg $0x9  }
0xb4: {  	_ =	task.clear_ibuf [dreg:s9], $0x6FFFF;
	_ =	strace $0x90000046  }
0xb5: {  	s29 =	simm.s32 $0x9;
	_ =	strace $0x80000048  }
0xb6: {  	_ =	swait.ge [sflag:s29], $0x1  }
0xb7: {  	[sflag:s29] =	ssyncadd.s32 $0xFFFFFFFF  }
0xb8: {  	_ =	strace $0x90000048  }
0xb9: {  	_ =	sfence  }
0xba: {  	s30 =	sld [smem:$0x0];
	_ =	sdelay $0x2  }
0xbb: {  	s31 =	sshll.u32 s1, $0xD;
	s1 =	sshrl.u32 s1, $0x2  }
0xbc: {  	s3 =	sand.u32 $0x4000, s31;
	s1 =	sadd.s32 s1, s30  }
0xbd: {  	s0 =	sor.u32 s3, s0;
	s1 =	sshll.u32 s1, $0x11  }
0xbe: {  	s0 =	sor.u32 s1, s0  }
0xbf: {  	s0 =	sadd.s32 $0x8F2B, s0  }
0xc0: {  	[sflag:s0] =	ssyncadd.remote.s32 $0x1  }
0xc1: {  	_ =	sfence.sel $0xFFFF  }
0xc2: {  	[dreg:$0x0] =	wrdreg $0xFFFFFFFF;
	(pc) =	sbr.abs _section_cstart, $3  }
0xc3: {  	[dreg:$0x1] =	wrdreg $0xFFFFFFFF  }
0xc4: {  	_ =	task.clear_ibuf [dreg:s9], $0x2FFFF;
	_ =	strace $0x9FFFFFFF  }
0xc5: {  	(tm) =	ssettm $0x7FFFFFFF  }
tec
execute0_lowered:
.L_overlay_start_1:
0x0: {  	(tag) =	ssettag $0x1  }
0x1: {  	s1 =	rddreg [dreg:$0x0]  }
0x2: {  	s3 =	rddreg [dreg:$0x1]  }
0x3: {  	s2 =	srdreg.scid;
	s0 =	stileid.u32  }
0x4: {  	s4 =	rddreg [dreg:$0x2];
	s8 =	sand.u32 $0x1, s2;
	s5 =	sshll.u32 s0, $0xB  }
0x5: {  	s28 =	sshll.u32 s0, $0x15;
	s6 =	sshll.u32 s8, $0xA;
	s7 =	sand.u32 $0x1800, s5  }
0x6: {  	s5 =	simm.s32 $0x0;
	s10 =	ssub.s32 $0x2, s8;
	s9 =	sor.u32 s6, s7  }
0x7: {  	[smem:$0x7FF] =	sst s5;
	s6 =	sand.u32 $0x1800000, s28;
	s11 =	sshrl.u32 s10, $0x1  }
0x8: {  	s7 =	sshll.u32 s9, $0xA;
	_ =	strace $0x80000047;
	s13 =	sshll.u32 s9, $0x7  }
0x9: {  	s11 =	ssub.s32 s10, s11;
	s8 =	sor.u32 s6, s7;
	s30 =	sadd.s32 s3, s13  }
0xa: {  	s31 =	smax.u32 s11, $0x1;
	s12 =	sshrl.u32 s8, $0x3;
	[dreg:$0x5] =	wrdreg s30  }
0xb: {  	s14 =	simm.s32 $0x9;
	[dreg:$0x6] =	wrdreg s31;
	s29 =	sadd.s32 s1, s12  }
0xc: {  	s15 =	simm.s32 $0x7;
	s16 =	simm.s32 $0x0;
	[dreg:$0x4] =	wrdreg s29  }
.LBB2_1:
0xd: {  	s0 =	rddreg [dreg:$0x4]  }
0xe: {  	[tilespmem:s5], [sflag:$0x1] =	stream.linear.gather [hbm4b:s0+s5], $0x4000, $0x38;
	[tilespmem:$0x18000] =	vst v63  }
0xf: {  	s31 =	rddreg [dreg:$0x5];
	s2 =	simm.s32 $0xC000;
	s17 =	simm.s32 $0x0  }
0x10: {  	[tilespmem:s2], [sflag:$0x4] =	stream.linear.gather [hbm4b:s31+s5], $0x4000, $0x38;
	[tilespmem:$0x18000] =	vst v63  }
.LBB2_2:
0x11: {  	p0 =	seq.s32 s17, $0x3F  }
0x12: {  	p1 =	slt.u32 @!p0 s17, $0x2  }
0x13: {  	p1 =	por p1, p0  }
0x14: {  	s19 =	sadd.s32 @!p1 $0xFFFFFFFE, s17  }
0x15: {  	s18 =	sand.u32 @!p1 $0xFF, s19  }
0x16: {  	s20 =	smul.u32 @!p1 $0xAB, s18  }
0x17: {  	s21 =	smul.u32 $0xAB, s17;
	s18 =	sadd.s32 $0x1, s17  }
0x18: {  	s22 =	smul.u32 @!p0 $0xAB, s18;
	s20 =	sshrl.u32 @!p1 s20, $0x9  }
0x19: {  	s20 =	smul.u32 @!p1 $0x3, s20  }
0x1a: {  	s25 =	simm.s32 @!p0 $0x0;
	s21 =	sshrl.u32 s21, $0x9  }
0x1b: {  	s21 =	sand.u32 $0x7F, s21;
	s22 =	sshrl.u32 @!p0 s22, $0x9;
	s19 =	ssub.s32 @!p1 s19, s20  }
0x1c: {  	s21 =	smul.u32 $0x3, s21;
	s20 =	sand.u32 @!p0 $0x7F, s22;
	s19 =	sand.u32 @!p1 $0xFF, s19  }
0x1d: {  	s22 =	sshll.u32 @!p0 s18, $0xE;
	s20 =	smul.u32 @!p0 $0x3, s20;
	s19 =	sadd.s32 @!p1 $0x7, s19  }
0x1e: {  	s21 =	ssub.s32 s17, s21;
	s22 =	sadd.s32 @!p0 s7, s22;
	_ =	swait.ge @!p1 [sflag:s19], $0x4000  }
0x1f: {  	s23 =	sadd.s32 @!p0 s6, s22;
	s20 =	ssub.s32 @!p0 s18, s20;
	[sflag:s19] =	ssyncset.done @!p1 $0x0  }
0x20: {  	s20 =	sand.u32 @!p0 $0xFF, s20;
	[sflag:s19] =	ssyncadd.s32 @!p1 $0xFFFFC000;
	s19 =	sshrl.u32 @!p0 s23, $0x3  }
0x21: {  	s24 =	sshll.u32 @!p0 s20, $0xE;
	s23 =	sadd.s32 @!p0 $0x1, s20;
	s19 =	sadd.s32 @!p0 s1, s19  }
0x22: {  	[tilespmem:s24], [sflag:s23] =	stream.linear.gather @!p0 [hbm4b:s19+s25], $0x4000, $0x38;
	[tilespmem:$0x18000] =	vst v63  }
0x23: {  	s20 =	sor.u32 @!p0 $0x4, s20;
	s19 =	sand.u32 $0xFF, s21;
	s21 =	sshrl.u32 @!p0 s22, $0x3  }
0x24: {  	s22 =	sadd.s32 @!p0 $0xC000, s24;
	s21 =	sadd.s32 @!p0 s3, s21;
	s12 =	sadd.s32 $0x1, s19  }
0x25: {  	[tilespmem:s22], [sflag:s20] =	stream.linear.gather @!p0 [hbm4b:s21+s25], $0x4000, $0x38;
	[tilespmem:$0x18000] =	vst v63  }
0x26: {  	s31 =	simm.s32 $0x0;
	s13 =	sadd.s32 $0x4, s19;
	_ =	swait.ge [sflag:s12], $0x4000  }
0x27: {  	s21 =	simm.s32 $0x0;
	s25 =	simm.s32 $0x0;
	[sflag:s12] =	ssyncset.done $0x0  }
0x28: {  	s20 =	sand.u32 $0x2000, s25;
	s26 =	sand.u32 $0x1C00, s21;
	[sflag:s12] =	ssyncadd.s32 $0xFFFFC000  }
0x29: {  	s24 =	sand.u32 $0x380, s31;
	s23 =	sor.u32 s20, s26;
	_ =	swait.ge [sflag:s13], $0x4000  }
0x2a: {  	s20 =	sshll.u32 s19, $0xE;
	s23 =	sor.u32 s24, s23;
	[sflag:s13] =	ssyncset.done $0x0  }
0x2b: {  	s29 =	sor.u32 s20, s23;
	[sflag:s13] =	ssyncadd.s32 $0xFFFFC000  }
0x2c: {  	s31 =	sor.u32 $0x70, s29;
	v0 =	vld [tilespmem:s29+$0xC070]  }
0x2d: {  	s26 =	sor.u32 $0x10, s29;
	v6 =	vld [tilespmem:s31+$0x0]  }
0x2e: {  	s28 =	sor.u32 $0x20, s29;
	v5 =	vld [tilespmem:s26+$0x0]  }
0x2f: {  	s25 =	sor.u32 $0x30, s29;
	v4 =	vld [tilespmem:s28+$0x0]  }
0x30: {  	s24 =	sor.u32 $0x40, s29;
	v2 =	vld [tilespmem:s25+$0x0]  }
0x31: {  	s22 =	sor.u32 $0x50, s29;
	v3 =	vld [tilespmem:s24+$0x0]  }
0x32: {  	s23 =	sor.u32 $0x60, s29;
	v1 =	vld [tilespmem:s22+$0x0]  }
0x33: {  	v7 =	vadd.f32 v0, v6;
	v0 =	vld [tilespmem:s23+$0x0]  }
0x34: {  	v6 =	vld [tilespmem:s29+$0x0]  }
0x35: {  	s30 =	simm.s32 $0x0;
	[tilespmem:s31+$0x0] =	vst v7;
	v7 =	vld [tilespmem:s29+$0xC000]  }
.LBB2_3:
0x36: {  	s30 =	sadd.s32 $0x8, s30;
	v8 =	vld [tilespmem:s29+$0xC010]  }
0x37: {  	s21 =	sadd.s32 $0x400, s21;
	s31 =	sshll.u32 s30, $0x4;
	p0 =	slt.u32 s30, $0x3F8;
	v9 =	vld [tilespmem:s29+$0xC020]  }
0x38: {  	s2 =	sand.u32 $0x1C00, s21;
	s0 =	sshll.u32 s30, $0x1;
	s31 =	sand.u32 $0x2000, s31;
	v10 =	vld [tilespmem:s29+$0xC030]  }
0x39: {  	s0 =	sand.u32 $0x380, s0;
	s2 =	sor.u32 s31, s2;
	v11 =	vld [tilespmem:s29+$0xC040]  }
0x3a: {  	s0 =	sor.u32 s0, s2;
	v6 =	vadd.f32 v7, v6;
	v7 =	vld [tilespmem:s29+$0xC050]  }
0x3b: {  	s0 =	sor.u32 s20, s0;
	v5 =	vadd.f32 v8, v5;
	v8 =	vld [tilespmem:s29+$0xC060]  }
0x3c: {  	s2 =	sor.u32 $0x10, s0;
	s31 =	sor.u32 $0x20, s0;
	s12 =	sor.u32 $0x70, s0;
	v12 =	vld [tilespmem:s0+$0xC070];
	[tilespmem:s29+$0x0] =	vst v6;
	v4 =	vadd.f32 v9, v4  }
0x3d: {  	s9 =	sor.u32 $0x30, s0;
	s10 =	sor.u32 $0x40, s0;
	s11 =	sor.u32 $0x50, s0;
	v6 =	vld [tilespmem:s12+$0x0];
	[tilespmem:s26+$0x0] =	vst v5;
	v2 =	vadd.f32 v10, v2  }
0x3e: {  	s13 =	sor.u32 $0x60, s0;
	s29 =	smov.u32 s0;
	s26 =	smov.u32 s2;
	v5 =	vld [tilespmem:s2+$0x0];
	[tilespmem:s28+$0x0] =	vst v4;
	v3 =	vadd.f32 v11, v3  }
0x3f: {  	s28 =	smov.u32 s31;
	v4 =	vld [tilespmem:s31+$0x0];
	[tilespmem:s25+$0x0] =	vst v2;
	v1 =	vadd.f32 v7, v1;
	s25 =	smov.u32 s9  }
0x40: {  	v2 =	vld [tilespmem:s25+$0x0];
	[tilespmem:s24+$0x0] =	vst v3;
	v0 =	vadd.f32 v8, v0;
	s24 =	smov.u32 s10  }
.Ltmp0:
0x41: {  	v3 =	vld [tilespmem:s24+$0x0];
	[tilespmem:s22+$0x0] =	vst v1;
	s22 =	smov.u32 s11;
	(pc) =	sbr.rel @p0 .LBB2_3-.Ltmp0, $4  }
0x42: {  	v1 =	vld [tilespmem:s22+$0x0];
	v7 =	vadd.f32 v12, v6;
	[tilespmem:s23+$0x0] =	vst v0;
	s23 =	smov.u32 s13  }
0x43: {  	v0 =	vld [tilespmem:s23+$0x0]  }
0x44: {  	v6 =	vld [tilespmem:s29+$0x0];
	[tilespmem:s12+$0x0] =	vst v7  }
0x45: {  	v7 =	vld [tilespmem:s29+$0xC000]  }
0x46: {  	v8 =	vld [tilespmem:s29+$0xC010]  }
0x47: {  	v9 =	vld [tilespmem:s29+$0xC020]  }
0x48: {  	v10 =	vld [tilespmem:s29+$0xC030]  }
0x49: {  	v11 =	vld [tilespmem:s29+$0xC040]  }
0x4a: {  	v62 =	vld [tilespmem:s29+$0xC050];
	v6 =	vadd.f32 v7, v6  }
0x4b: {  	v63 =	vld [tilespmem:s29+$0xC060];
	v5 =	vadd.f32 v8, v5  }
0x4c: {  	v4 =	vadd.f32 v9, v4;
	[tilespmem:s29+$0x0] =	vst v6  }
0x4d: {  	v2 =	vadd.f32 v10, v2;
	[tilespmem:s26+$0x0] =	vst v5  }
0x4e: {  	p0 =	sne.s32 s18, $0x40;
	v3 =	vadd.f32 v11, v3;
	[tilespmem:s28+$0x0] =	vst v4  }
.Ltmp1:
0x4f: {  	s0 =	sshll.u32 s17, $0xE;
	v1 =	vadd.f32 v62, v1;
	[tilespmem:s25+$0x0] =	vst v2;
	(pc) =	sbr.rel @p0 .LBB2_2-.Ltmp1, $4  }
0x50: {  	s0 =	sadd.s32 s8, s0;
	v0 =	vadd.f32 v63, v0;
	[tilespmem:s24+$0x0] =	vst v3  }
0x51: {  	s0 =	sshrl.u32 s0, $0x3;
	[tilespmem:s22+$0x0] =	vst v1  }
0x52: {  	s2 =	sadd.s32 $0x7, s19;
	s17 =	smov.u32 s18;
	s0 =	sadd.s32 s4, s0;
	[tilespmem:s23+$0x0] =	vst v0  }
0x53: {  	[hbm4b:s0+s5] =	stream.linear.scatter [tilespmem:s20], [sflag:s2], $0x4000, $0x38;
	[tilespmem:$0x18000] =	vst v63  }
0x54: {  	s0 =	simm.s32 $0x8  }
0x55: {  	_ =	swait.ge [sflag:s0], $0x4000  }
0x56: {  	[sflag:s0] =	ssyncset.done $0x0  }
0x57: {  	[sflag:s0] =	ssyncadd.s32 $0xFFFFC000  }
0x58: {  	_ =	swait.ge [sflag:s14], $0x4000  }
0x59: {  	[sflag:s14] =	ssyncset.done $0x0  }
0x5a: {  	[sflag:s14] =	ssyncadd.s32 $0xFFFFC000  }
0x5b: {  	_ =	swait.ge [sflag:s15], $0x4000  }
0x5c: {  	s16 =	sadd.s32 $0x1, s16;
	s31 =	rddreg [dreg:$0x6]  }
0x5d: {  	p0 =	sne.s32 s16, s31  }
.Ltmp2:
0x5e: {  	_ = 	snop;
	(pc) =	sbr.rel @p0 .LBB2_1-.Ltmp2, $3  }
0x5f: {  	_ =	sdelay $0x1  }
0x60: {  	[sflag:s15] =	ssyncset.done $0x0  }
0x61: {  	[sflag:s15] =	ssyncadd.s32 $0xFFFFC000  }
0x62: {  	_ =	sfence.sel $0x180000  }
0x63: {  	[bflag:$0x0] =	sbarrier.arrive $0xFFFF  }
0x64: {  	_ =	strace $0x90000047  }
0x65: {  	s0 =	stileid.u32;
	[bflag:$0x2] =	sbarrier.arrive $0xFFFF  }
0x66: {  	p0 =	sne.s32 s0, $0x0;
	s0 =	rddreg [dreg:$0x3]  }
0x67: {  	s0 =	sadd.s32 @!p0 $0x100000, s0  }
0x68: {  	[sflag:s0] =	ssyncadd.tile.s32 @!p0 $0x1;
	_ =	shalt  }
.Lfunc_end2:
_tile_overlayer_lowered:
.L_overlay_start_2:
0x69: {  	(tag) =	ssettag $0x2  }
0x6a: {  	s0 =	rddreg [dreg:$0x0];
	s2 =	stileid.u32  }
0x6b: {  	s1 =	rddreg [dreg:$0x1];
	p0 =	sne.s32 s2, $0x0  }
0x6c: {  	s3 =	rddreg [dreg:$0x2];
	[bflag:$0x3] =	sbarrier.arrive $0xFFFF;
	s2 =	simm.s32 @!p0 $0x1C0A  }
0x6d: {  	[timem:s3], [sflag:s2] =	dma.local @!p0 [hbm:s0], s1  }
0x6e: {  	s0 =	simm.s32 @!p0 $0xA  }
0x6f: {  	_ =	swait.ge @!p0 [sflag:s0], s1  }
0x70: {  	s1 =	ssub.s32 @!p0 $0x0, s1;
	[sflag:s0] =	ssyncset.done @!p0 $0x0  }
0x71: {  	[sflag:s0] =	ssyncadd.s32 @!p0 s1  }
0x72: {  	[bflag:$0x3] =	sbarrier.arrive $0xFFFF  }
0x73: {  	_ =	shalt  }

</sc_bundles>
